<compile_context>
chip_gen: v7x
topology: tpu7x:2x2x1
jax: 0.10.2.dev20260603
libtpu: 0.0.44.dev20260713+nightly
codegen_flags: <defaults>
</compile_context>

<pallas_src>
import functools
import jax, jax.numpy as jnp
from jax import lax
from jax.experimental import pallas as pl
from jax.experimental.pallas import tpu as pltpu
from jax.experimental.pallas import tpu_sc as plsc


@functools.cache
def _build(B, T, N, C, K):
    mesh = plsc.ScalarSubcoreMesh(axis_name="c", num_cores=2)

    @functools.partial(
        pl.kernel,
        mesh=mesh,
        compiler_params=pltpu.CompilerParams(needs_layout_passes=False),
        out_type=[
            jax.ShapeDtypeStruct((B * K * N * C,), jnp.float32),
            jax.ShapeDtypeStruct((B * K, C), jnp.float32),
        ],
        scratch_types=[],
    )
    def k(patch_hbm, audio_hbm, rowbase_hbm, out_patch, out_audio):
        pass

    return k


def kernel(top_k_index_sort, patch_feat, audio_feat):
    B, T, N, C = patch_feat.shape
    K = top_k_index_sort.shape[-1]
    idx = top_k_index_sort.reshape(B, K).astype(jnp.int32)
    rowbase = (jnp.arange(B, dtype=jnp.int32)[:, None] * T + idx).reshape(B * K)
    out_p, out_a = _build(B, T, N, C, K)(
        patch_feat.reshape(B * T * N * C), audio_feat.reshape(B * T, C), rowbase)
    return out_p.reshape(B, K, N, C), out_a.reshape(B, K, C)

# --- scband reference (transcript-rebuilt; emitter-appended) ---
"""Pipeline reference for scband-top-ksegs-selection-24404004176332 (READ-ONLY COPY).

The authoritative reference and input builder live on the scoring server;
editing this copy changes nothing except your own understanding.
"""

import jax, jax.numpy as jnp
import numpy as np

B, T, N, C, K = 8, 32, 256, 768, 10

def setup_inputs(seed: int = 0) -> dict:
    key = jax.random.key(seed)
    k1, k2, k3 = jax.random.split(key, 3)
    top_k_index_sort = jax.random.randint(k1, (B, 1, K), 0, T, dtype=jnp.int64)
    patch_feat = jax.random.normal(k2, (B, T, N, C), dtype=jnp.float32)
    audio_feat = jax.random.normal(k3, (B, T, C), dtype=jnp.float32)
    return {"top_k_index_sort": top_k_index_sort, "patch_feat": patch_feat, "audio_feat": audio_feat}

def reference(top_k_index_sort, patch_feat, audio_feat):
    # idx per batch: [B, K] selecting along the T axis
    idx = top_k_index_sort[:, 0, :]  # [B, K]
    output_patch_feat = jnp.take_along_axis(patch_feat, idx[:, :, None, None], axis=1)  # [B, K, N, C]
    output_audio_feat = jnp.take_along_axis(audio_feat, idx[:, :, None], axis=1)  # [B, K, C]
    return (output_patch_feat, output_audio_feat)

if __name__ == "__main__":
    import jax
    _d = setup_inputs()
    print(jax.jit(kernel)(*tuple(_d.values())))

</pallas_src>

<mosaic_0001>
#map = affine_map<(d0) -> (0)>
#map1 = affine_map<(d0) -> (0, 0)>
module attributes {stable_mosaic.version = 14 : i64} {
  func.func @k(%arg0: i32, %arg1: memref<50331648xf32, #tpu.memory_space<hbm>>, %arg2: memref<256x768xf32, #tpu.memory_space<hbm>>, %arg3: memref<80xi32, #tpu.memory_space<hbm>>, %arg4: memref<15728640xf32, #tpu.memory_space<hbm>>, %arg5: memref<80x768xf32, #tpu.memory_space<hbm>>) attributes {dimension_semantics = [#tpu.dimension_semantics<core_parallel>], iteration_bounds = array<i64: 2>, scalar_prefetch = 0 : i64, scratch_operands = 0 : i64, tpu.core_type = #tpu.core_type<sc_scalar_subcore>, window_params = [{transform_indices = #map}, {transform_indices = #map1}, {transform_indices = #map}, {transform_indices = #map}, {transform_indices = #map1}]} {
    return
  }
}

</mosaic_0001>

<sc_bundles>
// kernel: kernel.3.cloned.1.call-start
scs
__scs_entry_jumppad:
0x0: {  	(pc) =	sbr.rel $0x88, $3  }
0x1: {  	(tag) =	ssettag $0x0;
	lr =	simm.s32 $0x1  }
0x2: {  	[smem:$0x3F9E] =	sst lr;
	_ =	strace $0xD0000000  }
0x3: {  	_ = 	snop  }
0x4: {  	_ = 	snop  }
0x5: {  	_ = 	snop  }
0x6: {  	_ = 	snop  }
0x7: {  	_ = 	snop  }
__scs_overlays_trampoline_lowered:
0x8: {  	[smem:$0x3FAD] =	sst s0  }
0x9: {  	[smem:$0x3FAE] =	sst s1  }
0xa: {  	[smem:$0x3FAF] =	sst s2  }
0xb: {  	[smem:$0x3FB0] =	sst s3  }
0xc: {  	[smem:$0x3FB1] =	sst s4  }
0xd: {  	[smem:$0x3FB2] =	sst s5  }
0xe: {  	[smem:$0x3FB3] =	sst s6  }
0xf: {  	[smem:$0x3FB4] =	sst s7  }
0x10: {  	[smem:$0x3FB5] =	sst s8  }
0x11: {  	[smem:$0x3FB6] =	sst s9;
	s0 =	simm.s32 @!p0 $0x0  }
0x12: {  	s1 =	sld [smem:$0x3F9C];
	s0 =	simm.s32 @p0 $0x1  }
0x13: {  	[smem:$0x3FB7] =	sst s0;
	s0 =	simm.s32 @!p1 $0x0  }
0x14: {  	s2 =	sld [smem:$0x3F9B];
	s0 =	simm.s32 @p1 $0x1  }
0x15: {  	[smem:$0x3FB8] =	sst s0;
	s0 =	simm.s32 @!p2 $0x0  }
0x16: {  	s3 =	sld [smem:$0x3FDB];
	s0 =	simm.s32 @p2 $0x1  }
0x17: {  	s4 =	simm.s32 $0x1BF5;
	[smem:$0x3FBA] =	sst s0  }
0x18: {  	s0 =	sld [smem:$0x3F9D];
	_ =	swait.ge [sflag:s4], $0x0  }
0x19: {  	s7 =	sld [smem:$0x3F9E]  }
0x1a: {  	s8 =	sadd.s32 $0xFFFFE003, lr  }
0x1b: {  	s9 =	sadd.s32 $0xFFFFFEF7, lr;
	s5 =	simm.s32 $0xFFFFFFFF;
	p2 =	slt.u32 s8, $0xFFFFF086  }
0x1c: {  	p1 =	slt.u32 s9, $0xF7A;
	s5 =	simm.s32 @!p2 $0x0  }
0x1d: {  	s5 =	simm.s32 @p1 $0x1;
	p0 =	seq.s32 s7, s2  }
0x1e: {  	s7 =	smul.u32 @!p0 $0xF7A, s2;
	p2 =	seq.s32 @!p0 s5, $0x0  }
0x1f: {  	s9 =	smul.u32 $0xF7A, s1;
	s8 =	simm.s32 @!p0 $0x1BF5;
	p2 =	por !p2, p0  }
0x20: {  	[sflag:s8] =	ssyncset.s32 @!p0 $0xFFFFF086;
	s6 =	sadd.s32 @!p0 s3, s7;
	s7 =	simm.s32 @!p0 $0x108  }
0x21: {  	s3 =	sadd.s32 s3, s9;
	s6 =	sadd.s32 @!p0 $0x88, s6;
	s7 =	simm.s32 @p2 $0x1082  }
0x22: {  	[simem:s7], [sflag:s8] =	dma.local @!p0 [hbm:s6], $0xF7A  }
0x23: {  	s9 =	sor.u32 $0xD0000000, s2;
	s6 =	simm.s32 $0x108;
	_ =	swait.ge @!p0 [sflag:s8], $0x0  }
0x24: {  	s3 =	sadd.s32 $0x88, s3;
	s6 =	simm.s32 @!p1 $0x1082;
	[sflag:s4] =	ssyncset.s32 $0xFFFFF086  }
0x25: {  	[simem:s6], [sflag:s4] =	dma.local [hbm:s3], $0xF7A  }
0x26: {  	[smem:$0x3F9E] =	sst s1;
	(tag) =	ssettag s2;
	_ =	strace s9  }
0x27: {  	s1 =	sld [smem:$0x3FAE]  }
0x28: {  	s2 =	sld [smem:$0x3FAF]  }
0x29: {  	s4 =	sld [smem:$0x3FB1]  }
0x2a: {  	p0 =	seq.s32 s5, $0x0;
	s5 =	sld [smem:$0x3FB2]  }
0x2b: {  	s6 =	sld [smem:$0x3FB3]  }
0x2c: {  	s7 =	sld [smem:$0x3FB4]  }
0x2d: {  	s3 =	simm.s32 $0x108;
	s8 =	sld [smem:$0x3FB5]  }
0x2e: {  	s3 =	simm.s32 @!p0 $0x1082;
	s9 =	sld [smem:$0x3FB6]  }
0x2f: {  	lr =	sadd.s32 s0, s3;
	s0 =	sld [smem:$0x3FAD]  }
0x30: {  	s3 =	sld [smem:$0x3FB0]  }
0x31: {  	[smem:$0x3FB9] =	sst s10  }
0x32: {  	s10 =	sld [smem:$0x3FB7];
	_ =	sdelay $0x3  }
0x33: {  	p0 =	seq.s32 s10, $0x1;
	s10 =	sld [smem:$0x3FB9];
	_ =	sdelay $0x3  }
0x34: {  	[smem:$0x3FB9] =	sst s10  }
0x35: {  	s10 =	sld [smem:$0x3FB8];
	_ =	sdelay $0x3  }
0x36: {  	p1 =	seq.s32 s10, $0x1;
	s10 =	sld [smem:$0x3FB9];
	_ =	sdelay $0x3  }
0x37: {  	[smem:$0x3FB9] =	sst s10  }
0x38: {  	s10 =	sld [smem:$0x3FBA]  }
0x39: {  	_ = 	snop;
	(pc) =	sbr.ind lr, $3  }
0x3a: {  	_ = 	snop  }
0x3b: {  	_ = 	snop  }
0x3c: {  	p2 =	seq.s32 s10, $0x1;
	s10 =	sld [smem:$0x3FB9]  }
0x3d: {  	_ =	shalt  }
0x3e: {  	_ =	shalt  }
0x3f: {  	_ =	shalt  }
0x40: {  	_ =	shalt  }
0x41: {  	_ =	shalt  }
0x42: {  	_ =	shalt  }
0x43: {  	_ =	shalt  }
0x44: {  	_ =	shalt  }
0x45: {  	_ =	shalt  }
0x46: {  	_ =	shalt  }
0x47: {  	_ =	shalt  }
0x48: {  	_ =	shalt  }
0x49: {  	_ =	shalt  }
0x4a: {  	_ =	shalt  }
0x4b: {  	_ =	shalt  }
0x4c: {  	_ =	shalt  }
0x4d: {  	_ =	shalt  }
0x4e: {  	_ =	shalt  }
0x4f: {  	_ =	shalt  }
0x50: {  	_ =	shalt  }
0x51: {  	_ =	shalt  }
0x52: {  	_ =	shalt  }
0x53: {  	_ =	shalt  }
0x54: {  	_ =	shalt  }
0x55: {  	_ =	shalt  }
0x56: {  	_ =	shalt  }
0x57: {  	_ =	shalt  }
0x58: {  	_ =	shalt  }
0x59: {  	_ =	shalt  }
0x5a: {  	_ =	shalt  }
0x5b: {  	_ =	shalt  }
0x5c: {  	_ =	shalt  }
0x5d: {  	_ =	shalt  }
0x5e: {  	_ =	shalt  }
0x5f: {  	_ =	shalt  }
0x60: {  	_ =	shalt  }
0x61: {  	_ =	shalt  }
0x62: {  	_ =	shalt  }
0x63: {  	_ =	shalt  }
0x64: {  	_ =	shalt  }
0x65: {  	_ =	shalt  }
0x66: {  	_ =	shalt  }
0x67: {  	_ =	shalt  }
0x68: {  	_ =	shalt  }
0x69: {  	_ =	shalt  }
0x6a: {  	_ =	shalt  }
0x6b: {  	_ =	shalt  }
0x6c: {  	_ =	shalt  }
0x6d: {  	_ =	shalt  }
0x6e: {  	_ =	shalt  }
0x6f: {  	_ =	shalt  }
0x70: {  	_ =	shalt  }
0x71: {  	_ =	shalt  }
0x72: {  	_ =	shalt  }
0x73: {  	_ =	shalt  }
0x74: {  	_ =	shalt  }
0x75: {  	_ =	shalt  }
0x76: {  	_ =	shalt  }
0x77: {  	_ =	shalt  }
0x78: {  	_ =	shalt  }
0x79: {  	_ =	shalt  }
0x7a: {  	_ =	shalt  }
0x7b: {  	_ =	shalt  }
0x7c: {  	_ =	shalt  }
0x7d: {  	_ =	shalt  }
0x7e: {  	_ =	shalt  }
0x7f: {  	_ =	shalt  }
0x80: {  	_ =	shalt  }
0x81: {  	_ =	shalt  }
0x82: {  	_ =	shalt  }
0x83: {  	_ =	shalt  }
0x84: {  	_ =	shalt  }
0x85: {  	_ =	shalt  }
0x86: {  	_ =	shalt  }
0x87: {  	_ =	shalt  }
.Lfunc_end0:
.L_simem_size_0:
called_computation_lowered:
.L_overlay_start_0:
0x88: {  	s0 =	sld [smem:$0x3FD9]  }
0x89: {  	s1 =	sld [smem:$0x3FFE];
	_ =	sdelay $0x1  }
0x8a: {  	s2 =	srdreg.scid  }
0x8b: {  	s3 =	sand.u32 $0x1, s2  }
0x8c: {  	s25 =	sshll.u32 s3, $0xA;
	s0 =	sadd.s32 s1, s0  }
0x8d: {  	s0 =	sadd.s32 s0, s25  }
0x8e: {  	[smem:$0x3FC5] =	sst s0  }
0x8f: {  	_ = 	snop  }
0x90: {  	(tm) =	ssettm $0x1  }
0x91: {  	s26 =	sld [smem:$0x3FFB];
	_ =	sdelay $0x3  }
0x92: {  	_ =	strace s26  }
0x93: {  	s0 =	sld [smem:$0x3FFC];
	_ =	sdelay $0x3  }
0x94: {  	_ =	strace s0  }
0x95: {  	s0 =	sld [smem:$0x3FFD];
	_ =	sdelay $0x3  }
0x96: {  	_ =	strace s0  }
0x97: {  	s28 =	simm.s32 $0x1B8B;
	_ =	strace $0x8FFFFFFF  }
0x98: {  	_ =	swait.ge [sflag:s28], $0x1  }
0x99: {  	[sflag:s28] =	ssyncset.done $0x0  }
0x9a: {  	s29 =	simm.s32 $0x1B8E;
	[sflag:s28] =	ssyncadd.s32 $0xFFFFFFFF  }
0x9b: {  	[smem:$0x3FD2] =	sst s29  }
0x9c: {  	_ =	strace $0x80000046  }
0x9d: {  	_ =	strace $0x90000046  }
0x9e: {  	_ =	sfence  }
0x9f: {  	s30 =	sld [smem:$0x0];
	_ =	sdelay $0x2  }
0xa0: {  	s31 =	sshll.u32 s2, $0xD;
	s2 =	sshrl.u32 s2, $0x2  }
0xa1: {  	s1 =	sand.u32 $0x4000, s31;
	s0 =	sadd.s32 s2, s30  }
0xa2: {  	s1 =	sor.u32 s1, s3;
	s0 =	sshll.u32 s0, $0x11  }
0xa3: {  	s0 =	sor.u32 s0, s1  }
0xa4: {  	s0 =	sadd.s32 $0x8F2B, s0;
	(pc) =	sbr.abs _section_cstart, $3  }
0xa5: {  	[sflag:s0] =	ssyncadd.remote.s32 $0x1  }
0xa6: {  	_ =	strace $0x9FFFFFFF  }
0xa7: {  	(tm) =	ssettm $0x7FFFFFFF  }

</sc_bundles>
